<compile_context>
chip_gen: v7x
topology: tpu7x:2x2x1
jax: 0.10.2.dev20260603
libtpu: 0.0.44.dev20260713+nightly
codegen_flags: <defaults>
</compile_context>

<pallas_src>
import functools
import jax
import jax.numpy as jnp
from jax import lax
from jax.experimental import pallas as pl
from jax.experimental.pallas import tpu as pltpu
from jax.experimental.pallas import tpu_sc as plsc

_P = 8
_K = 2
_LANES = 16
_NC, _NS = 2, 16


def _scores_kernel(x_ref, w_ref, s_ref):
    xb = x_ref[...]
    w = w_ref[...]
    s = lax.dot_general(w, xb, (((1,), (1,)), ((), ())),
                        preferred_element_type=jnp.float32)
    s_ref[...] = jax.nn.sigmoid(s)


def _top2_body(s_hbm, g_hbm, i_hbm, s_v, g_v, i_v):
    wid = lax.axis_index("s") * _NC + lax.axis_index("c")
    chunk = s_v.shape[1]
    pltpu.sync_copy(s_hbm.at[:, pl.ds(wid * chunk, chunk)], s_v)

    def step(j, _):
        base = j * _LANES
        s0 = s_v[0, pl.ds(base, _LANES)]
        m1, i1 = s0, jnp.zeros((_LANES,), jnp.int32)
        m2 = jnp.full((_LANES,), -1.0, jnp.float32)
        i2 = jnp.zeros((_LANES,), jnp.int32)
        for p in range(1, _P):
            sp = s_v[p, pl.ds(base, _LANES)]
            pv = jnp.full((_LANES,), p, jnp.int32)
            b1 = sp > m1
            b2 = sp > m2
            m2 = jnp.where(b1, m1, jnp.where(b2, sp, m2))
            i2 = jnp.where(b1, i1, jnp.where(b2, pv, i2))
            m1 = jnp.where(b1, sp, m1)
            i1 = jnp.where(b1, pv, i1)
        g_v[0, pl.ds(base, _LANES)] = m1
        g_v[1, pl.ds(base, _LANES)] = m2
        i_v[0, pl.ds(base, _LANES)] = i1
        i_v[1, pl.ds(base, _LANES)] = i2
        return 0

    lax.fori_loop(0, chunk // _LANES, step, 0)
    pltpu.sync_copy(g_v, g_hbm.at[:, pl.ds(wid * chunk, chunk)])
    pltpu.sync_copy(i_v, i_hbm.at[:, pl.ds(wid * chunk, chunk)])


def kernel(x, W_gate):
    B, L, D = x.shape
    tokens = B * L
    tblk = 2048
    nw = _NC * _NS
    chunk = tokens // nw
    xr = x.reshape(tokens, D)

    s = pl.pallas_call(
        _scores_kernel,
        grid=(tokens // tblk,),
        in_specs=[
            pl.BlockSpec((tblk, D), lambda t: (t, 0)),
            pl.BlockSpec((_P, D), lambda t: (0, 0)),
        ],
        out_specs=pl.BlockSpec((_P, tblk), lambda t: (0, t)),
        out_shape=jax.ShapeDtypeStruct((_P, tokens), jnp.float32),
        compiler_params=pltpu.CompilerParams(
            dimension_semantics=("parallel",),
        ),
    )(xr, W_gate)

    mesh = plsc.VectorSubcoreMesh(core_axis_name="c", subcore_axis_name="s",
                                  num_cores=_NC, num_subcores=_NS)
    top2 = pl.kernel(
        _top2_body,
        out_type=[
            jax.ShapeDtypeStruct((_K, tokens), jnp.float32),
            jax.ShapeDtypeStruct((_K, tokens), jnp.int32),
        ],
        mesh=mesh,
        scratch_types=[
            pltpu.VMEM((_P, chunk), jnp.float32),
            pltpu.VMEM((_K, chunk), jnp.float32),
            pltpu.VMEM((_K, chunk), jnp.int32),
        ],
    )
    g, i = top2(s)
    return g.T.reshape(B, L, _K), i.T.reshape(B, L, _K)

# --- scband reference (transcript-rebuilt; emitter-appended) ---
"""Pipeline reference for scband-mo-f2-28707561406899 (READ-ONLY COPY).

The authoritative reference and input builder live on the scoring server;
editing this copy changes nothing except your own understanding.
"""

import jax, jax.numpy as jnp
import numpy as np

B, L, D = 4, 8192, 1024
NUM_PROJ = 8
K = 2

def setup_inputs(seed: int = 0) -> dict:
    key = jax.random.key(seed)
    k1, k2 = jax.random.split(key)
    x = jax.random.normal(k1, (B, L, D), dtype=jnp.float32)
    # gate: torch.nn.Linear(hidden_dim, num_proj, bias=False) -> weight [num_proj, hidden_dim]
    W_gate = jax.random.normal(k2, (NUM_PROJ, D), dtype=jnp.float32) * (1.0 / np.sqrt(D))
    return {"x": x, "W_gate": W_gate}

def reference(x, W_gate):
    # Faithful translation of MoF2.forward as implemented: the only realized
    # computation is _compute_scores (gate -> sigmoid -> top-k); the projection
    # loop body and _project are `pass` in the source module, so forward
    # produces exactly the routing scores G and expert/group indices I.
    S = jax.nn.sigmoid(jnp.einsum('bld,pd->blp', x, W_gate))  # (B, L, num_proj)
    G, I = jax.lax.top_k(S, K)  # (B, L, k) each; k=2 so squeeze(-1) is a no-op
    return (G, I)

if __name__ == "__main__":
    import jax
    _d = setup_inputs()
    print(jax.jit(kernel)(*tuple(_d.values())))

</pallas_src>

<mosaic_0001>
#map = affine_map<(d0, d1) -> (0, 0)>
module attributes {stable_mosaic.version = 14 : i64} {
  func.func @_top2_body(%arg0: i32, %arg1: i32, %arg2: memref<8x32768xf32, #tpu.memory_space<hbm>>, %arg3: memref<2x32768xf32, #tpu.memory_space<hbm>>, %arg4: memref<2x32768xi32, #tpu.memory_space<hbm>>, %arg5: memref<8x1024xf32, #tpu.memory_space<vmem>>, %arg6: memref<2x1024xf32, #tpu.memory_space<vmem>>, %arg7: memref<2x1024xi32, #tpu.memory_space<vmem>>) attributes {dimension_semantics = [#tpu.dimension_semantics<core_parallel>, #tpu.dimension_semantics<subcore_parallel>], iteration_bounds = array<i64: 2, 16>, scalar_prefetch = 0 : i64, scratch_operands = 3 : i64, tpu.core_type = #tpu.core_type<sc_vector_subcore>, window_params = [{transform_indices = #map}, {transform_indices = #map}, {transform_indices = #map}]} {
    %mul3A = arith.constant 2 : i32
    %mul3A_0 = arith.muli %arg1, %mul3A : i32
    %add3A = arith.addi %mul3A_0, %arg0 : i32
    %mul3A_1 = arith.constant 1024 : i32
    %mul3A_2 = arith.muli %add3A, %mul3A_1 : i32
    "tpu.region"() ({
      %run_scoped3A = tpu.sem_alloc : memref<!tpu.dma_semaphore, #tpu.memory_space<semaphore_mem>>
      %dma_start3A = arith.constant 0 : i32
      %dma_start3A_13 = tpu.memref_slice %arg2[%dma_start3A, %mul3A_2] : memref<8x32768xf32, #tpu.memory_space<hbm>> -> memref<8x1024xf32, #tpu.memory_space<hbm>>
      %dma_start3A_14 = arith.constant 0 : i32
      %dma_start3A_15 = tpu.memref_slice %arg2[%dma_start3A_14, %mul3A_2] : memref<8x32768xf32, #tpu.memory_space<hbm>> -> memref<8x1024xf32, #tpu.memory_space<hbm>>
      tpu.enqueue_dma source(%dma_start3A_15 : memref<8x1024xf32, #tpu.memory_space<hbm>>) target(%arg5 : memref<8x1024xf32, #tpu.memory_space<vmem>>) target_semaphore(%run_scoped3A : memref<!tpu.dma_semaphore, #tpu.memory_space<semaphore_mem>>)
      %dma_wait3A = arith.constant 0 : i32
      %dma_wait3A_16 = tpu.memref_slice %arg2[%dma_wait3A, %mul3A_2] : memref<8x32768xf32, #tpu.memory_space<hbm>> -> memref<8x1024xf32, #tpu.memory_space<hbm>>
      %dma_wait3A_17 = arith.constant 0 : i32
      %dma_wait3A_18 = tpu.memref_slice %arg2[%dma_wait3A_17, %mul3A_2] : memref<8x32768xf32, #tpu.memory_space<hbm>> -> memref<8x1024xf32, #tpu.memory_space<hbm>>
      tpu.wait_dma2 semaphore(%run_scoped3A : memref<!tpu.dma_semaphore, #tpu.memory_space<semaphore_mem>>) src(%dma_wait3A_18 : memref<8x1024xf32, #tpu.memory_space<hbm>>) dst(%arg5 : memref<8x1024xf32, #tpu.memory_space<vmem>>)
      tpu.yield
    }) : () -> ()
    %scan3A = arith.constant 0 : i32
    %scan3A_3 = arith.constant 0 : i32
    %scan3A_4 = arith.constant 64 : i32
    %scan3A_5 = arith.addi %scan3A_3, %scan3A_4 : i32
    %scan3A_6 = arith.constant 1 : i32
    %scan3A_7 = scf.for %scan3A_13 = %scan3A_3 to %scan3A_5 step %scan3A_6 iter_args(%scan3A_14 = %scan3A) -> (i32)  : i32 {
      %mul3A_15 = arith.constant 16 : i32
      %mul3A_16 = arith.muli %scan3A_13, %mul3A_15 : i32
      %get3A = arith.constant 0 : i32
      %get3A_17 = arith.index_cast %get3A : i32 to index
      %get3A_18 = arith.index_cast %mul3A_16 : i32 to index
      %get3A_19 = tpu.vector_load %arg5[%get3A_17, %get3A_18] {strides = array<i32>} : memref<8x1024xf32, #tpu.memory_space<vmem>>, vector<1x16xf32>,
      %get3A_20 = vector.shape_cast %get3A_19 : vector<1x16xf32> to vector<16xf32>
      %broadcast_in_dim3A = arith.constant 0 : i32
      %broadcast_in_dim3A_21 = vector.broadcast %broadcast_in_dim3A : i32 to vector<16xi32>
      %broadcast_in_dim3A_22 = arith.constant -1.000000e+00 : f32
      %broadcast_in_dim3A_23 = vector.broadcast %broadcast_in_dim3A_22 : f32 to vector<16xf32>
      %broadcast_in_dim3A_24 = arith.constant 0 : i32
      %broadcast_in_dim3A_25 = vector.broadcast %broadcast_in_dim3A_24 : i32 to vector<16xi32>
      %get3A_26 = arith.constant 1 : i32
      %get3A_27 = arith.index_cast %get3A_26 : i32 to index
      %get3A_28 = arith.index_cast %mul3A_16 : i32 to index
      %get3A_29 = tpu.vector_load %arg5[%get3A_27, %get3A_28] {strides = array<i32>} : memref<8x1024xf32, #tpu.memory_space<vmem>>, vector<1x16xf32>,
      %get3A_30 = vector.shape_cast %get3A_29 : vector<1x16xf32> to vector<16xf32>
      %broadcast_in_dim3A_31 = arith.constant 1 : i32
      %broadcast_in_dim3A_32 = vector.broadcast %broadcast_in_dim3A_31 : i32 to vector<16xi32>
      %gt3A = arith.cmpf ogt, %get3A_30, %get3A_20 : vector<16xf32>
      %gt3A_33 = arith.cmpf ogt, %get3A_30, %broadcast_in_dim3A_23 : vector<16xf32>
      %select_n3A = arith.select %gt3A_33, %get3A_30, %broadcast_in_dim3A_23 : vector<16xi1>, vector<16xf32>
      %select_n3A_34 = arith.select %gt3A, %get3A_20, %select_n3A : vector<16xi1>, vector<16xf32>
      %select_n3A_35 = arith.select %gt3A_33, %broadcast_in_dim3A_32, %broadcast_in_dim3A_25 : vector<16xi1>, vector<16xi32>
      %select_n3A_36 = arith.select %gt3A, %broadcast_in_dim3A_21, %select_n3A_35 : vector<16xi1>, vector<16xi32>
      %select_n3A_37 = arith.select %gt3A, %get3A_30, %get3A_20 : vector<16xi1>, vector<16xf32>
      %select_n3A_38 = arith.select %gt3A, %broadcast_in_dim3A_32, %broadcast_in_dim3A_21 : vector<16xi1>, vector<16xi32>
      %get3A_39 = arith.constant 2 : i32
      %get3A_40 = arith.index_cast %get3A_39 : i32 to index
      %get3A_41 = arith.index_cast %mul3A_16 : i32 to index
      %get3A_42 = tpu.vector_load %arg5[%get3A_40, %get3A_41] {strides = array<i32>} : memref<8x1024xf32, #tpu.memory_space<vmem>>, vector<1x16xf32>,
      %get3A_43 = vector.shape_cast %get3A_42 : vector<1x16xf32> to vector<16xf32>
      %broadcast_in_dim3A_44 = arith.constant 2 : i32
      %broadcast_in_dim3A_45 = vector.broadcast %broadcast_in_dim3A_44 : i32 to vector<16xi32>
      %gt3A_46 = arith.cmpf ogt, %get3A_43, %select_n3A_37 : vector<16xf32>
      %gt3A_47 = arith.cmpf ogt, %get3A_43, %select_n3A_34 : vector<16xf32>
      %select_n3A_48 = arith.select %gt3A_47, %get3A_43, %select_n3A_34 : vector<16xi1>, vector<16xf32>
      %select_n3A_49 = arith.select %gt3A_46, %select_n3A_37, %select_n3A_48 : vector<16xi1>, vector<16xf32>
      %select_n3A_50 = arith.select %gt3A_47, %broadcast_in_dim3A_45, %select_n3A_36 : vector<16xi1>, vector<16xi32>
      %select_n3A_51 = arith.select %gt3A_46, %select_n3A_38, %select_n3A_50 : vector<16xi1>, vector<16xi32>
      %select_n3A_52 = arith.select %gt3A_46, %get3A_43, %select_n3A_37 : vector<16xi1>, vector<16xf32>
      %select_n3A_53 = arith.select %gt3A_46, %broadcast_in_dim3A_45, %select_n3A_38 : vector<16xi1>, vector<16xi32>
      %get3A_54 = arith.constant 3 : i32
      %get3A_55 = arith.index_cast %get3A_54 : i32 to index
      %get3A_56 = arith.index_cast %mul3A_16 : i32 to index
      %get3A_57 = tpu.vector_load %arg5[%get3A_55, %get3A_56] {strides = array<i32>} : memref<8x1024xf32, #tpu.memory_space<vmem>>, vector<1x16xf32>,
      %get3A_58 = vector.shape_cast %get3A_57 : vector<1x16xf32> to vector<16xf32>
      %broadcast_in_dim3A_59 = arith.constant 3 : i32
      %broadcast_in_dim3A_60 = vector.broadcast %broadcast_in_dim3A_59 : i32 to vector<16xi32>
      %gt3A_61 = arith.cmpf ogt, %get3A_58, %select_n3A_52 : vector<16xf32>
      %gt3A_62 = arith.cmpf ogt, %get3A_58, %select_n3A_49 : vector<16xf32>
      %select_n3A_63 = arith.select %gt3A_62, %get3A_58, %select_n3A_49 : vector<16xi1>, vector<16xf32>
      %select_n3A_64 = arith.select %gt3A_61, %select_n3A_52, %select_n3A_63 : vector<16xi1>, vector<16xf32>
      %select_n3A_65 = arith.select %gt3A_62, %broadcast_in_dim3A_60, %select_n3A_51 : vector<16xi1>, vector<16xi32>
      %select_n3A_66 = arith.select %gt3A_61, %select_n3A_53, %select_n3A_65 : vector<16xi1>, vector<16xi32>
      %select_n3A_67 = arith.select %gt3A_61, %get3A_58, %select_n3A_52 : vector<16xi1>, vector<16xf32>
      %select_n3A_68 = arith.select %gt3A_61, %broadcast_in_dim3A_60, %select_n3A_53 : vector<16xi1>, vector<16xi32>
      %get3A_69 = arith.constant 4 : i32
      %get3A_70 = arith.index_cast %get3A_69 : i32 to index
      %get3A_71 = arith.index_cast %mul3A_16 : i32 to index
      %get3A_72 = tpu.vector_load %arg5[%get3A_70, %get3A_71] {strides = array<i32>} : memref<8x1024xf32, #tpu.memory_space<vmem>>, vector<1x16xf32>,
      %get3A_73 = vector.shape_cast %get3A_72 : vector<1x16xf32> to vector<16xf32>
      %broadcast_in_dim3A_74 = arith.constant 4 : i32
      %broadcast_in_dim3A_75 = vector.broadcast %broadcast_in_dim3A_74 : i32 to vector<16xi32>
      %gt3A_76 = arith.cmpf ogt, %get3A_73, %select_n3A_67 : vector<16xf32>
      %gt3A_77 = arith.cmpf ogt, %get3A_73, %select_n3A_64 : vector<16xf32>
      %select_n3A_78 = arith.select %gt3A_77, %get3A_73, %select_n3A_64 : vector<16xi1>, vector<16xf32>
      %select_n3A_79 = arith.select %gt3A_76, %select_n3A_67, %select_n3A_78 : vector<16xi1>, vector<16xf32>
      %select_n3A_80 = arith.select %gt3A_77, %broadcast_in_dim3A_75, %select_n3A_66 : vector<16xi1>, vector<16xi32>
      %select_n3A_81 = arith.select %gt3A_76, %select_n3A_68, %select_n3A_80 : vector<16xi1>, vector<16xi32>
      %select_n3A_82 = arith.select %gt3A_76, %get3A_73, %select_n3A_67 : vector<16xi1>, vector<16xf32>
      %select_n3A_83 = arith.select %gt3A_76, %broadcast_in_dim3A_75, %select_n3A_68 : vector<16xi1>, vector<16xi32>
      %get3A_84 = arith.constant 5 : i32
      %get3A_85 = arith.index_cast %get3A_84 : i32 to index
      %get3A_86 = arith.index_cast %mul3A_16 : i32 to index
      %get3A_87 = tpu.vector_load %arg5[%get3A_85, %get3A_86] {strides = array<i32>} : memref<8x1024xf32, #tpu.memory_space<vmem>>, vector<1x16xf32>,
      %get3A_88 = vector.shape_cast %get3A_87 : vector<1x16xf32> to vector<16xf32>
      %broadcast_in_dim3A_89 = arith.constant 5 : i32
      %broadcast_in_dim3A_90 = vector.broadcast %broadcast_in_dim3A_89 : i32 to vector<16xi32>
      %gt3A_91 = arith.cmpf ogt, %get3A_88, %select_n3A_82 : vector<16xf32>
      %gt3A_92 = arith.cmpf ogt, %get3A_88, %select_n3A_79 : vector<16xf32>
      %select_n3A_93 = arith.select %gt3A_92, %get3A_88, %select_n3A_79 : vector<16xi1>, vector<16xf32>
      %select_n3A_94 = arith.select %gt3A_91, %select_n3A_82, %select_n3A_93 : vector<16xi1>, vector<16xf32>
      %select_n3A_95 = arith.select %gt3A_92, %broadcast_in_dim3A_90, %select_n3A_81 : vector<16xi1>, vector<16xi32>
      %select_n3A_96 = arith.select %gt3A_91, %select_n3A_83, %select_n3A_95 : vector<16xi1>, vector<16xi32>
      %select_n3A_97 = arith.select %gt3A_91, %get3A_88, %select_n3A_82 : vector<16xi1>, vector<16xf32>
      %select_n3A_98 = arith.select %gt3A_91, %broadcast_in_dim3A_90, %select_n3A_83 : vector<16xi1>, vector<16xi32>
      %get3A_99 = arith.constant 6 : i32
      %get3A_100 = arith.index_cast %get3A_99 : i32 to index
      %get3A_101 = arith.index_cast %mul3A_16 : i32 to index
      %get3A_102 = tpu.vector_load %arg5[%get3A_100, %get3A_101] {strides = array<i32>} : memref<8x1024xf32, #tpu.memory_space<vmem>>, vector<1x16xf32>,
      %get3A_103 = vector.shape_cast %get3A_102 : vector<1x16xf32> to vector<16xf32>
      %broadcast_in_dim3A_104 = arith.constant 6 : i32
      %broadcast_in_dim3A_105 = vector.broadcast %broadcast_in_dim3A_104 : i32 to vector<16xi32>
      %gt3A_106 = arith.cmpf ogt, %get3A_103, %select_n3A_97 : vector<16xf32>
      %gt3A_107 = arith.cmpf ogt, %get3A_103, %select_n3A_94 : vector<16xf32>
      %select_n3A_108 = arith.select %gt3A_107, %get3A_103, %select_n3A_94 : vector<16xi1>, vector<16xf32>
      %select_n3A_109 = arith.select %gt3A_106, %select_n3A_97, %select_n3A_108 : vector<16xi1>, vector<16xf32>
      %select_n3A_110 = arith.select %gt3A_107, %broadcast_in_dim3A_105, %select_n3A_96 : vector<16xi1>, vector<16xi32>
      %select_n3A_111 = arith.select %gt3A_106, %select_n3A_98, %select_n3A_110 : vector<16xi1>, vector<16xi32>
      %select_n3A_112 = arith.select %gt3A_106, %get3A_103, %select_n3A_97 : vector<16xi1>, vector<16xf32>
      %select_n3A_113 = arith.select %gt3A_106, %broadcast_in_dim3A_105, %select_n3A_98 : vector<16xi1>, vector<16xi32>
      %get3A_114 = arith.constant 7 : i32
      %get3A_115 = arith.index_cast %get3A_114 : i32 to index
      %get3A_116 = arith.index_cast %mul3A_16 : i32 to index
      %get3A_117 = tpu.vector_load %arg5[%get3A_115, %get3A_116] {strides = array<i32>} : memref<8x1024xf32, #tpu.memory_space<vmem>>, vector<1x16xf32>,
      %get3A_118 = vector.shape_cast %get3A_117 : vector<1x16xf32> to vector<16xf32>
      %broadcast_in_dim3A_119 = arith.constant 7 : i32
      %broadcast_in_dim3A_120 = vector.broadcast %broadcast_in_dim3A_119 : i32 to vector<16xi32>
      %gt3A_121 = arith.cmpf ogt, %get3A_118, %select_n3A_112 : vector<16xf32>
      %gt3A_122 = arith.cmpf ogt, %get3A_118, %select_n3A_109 : vector<16xf32>
      %select_n3A_123 = arith.select %gt3A_122, %get3A_118, %select_n3A_109 : vector<16xi1>, vector<16xf32>
      %select_n3A_124 = arith.select %gt3A_121, %select_n3A_112, %select_n3A_123 : vector<16xi1>, vector<16xf32>
      %select_n3A_125 = arith.select %gt3A_122, %broadcast_in_dim3A_120, %select_n3A_111 : vector<16xi1>, vector<16xi32>
      %select_n3A_126 = arith.select %gt3A_121, %select_n3A_113, %select_n3A_125 : vector<16xi1>, vector<16xi32>
      %select_n3A_127 = arith.select %gt3A_121, %get3A_118, %select_n3A_112 : vector<16xi1>, vector<16xf32>
      %select_n3A_128 = arith.select %gt3A_121, %broadcast_in_dim3A_120, %select_n3A_113 : vector<16xi1>, vector<16xi32>
      %swap3A = arith.constant 0 : i32
      %swap3A_129 = arith.index_cast %swap3A : i32 to index
      %swap3A_130 = arith.index_cast %mul3A_16 : i32 to index
      %swap3A_131 = tpu.vector_load %arg6[%swap3A_129, %swap3A_130] {strides = array<i32>} : memref<2x1024xf32, #tpu.memory_space<vmem>>, vector<1x16xf32>,
      %swap3A_132 = vector.shape_cast %swap3A_131 : vector<1x16xf32> to vector<16xf32>
      %swap3A_133 = vector.shape_cast %select_n3A_127 : vector<16xf32> to vector<1x16xf32>
      tpu.vector_store %arg6[%swap3A_129, %swap3A_130], %swap3A_133 {strides = array<i32>} : memref<2x1024xf32, #tpu.memory_space<vmem>>, vector<1x16xf32>,
      %swap3A_134 = arith.constant 1 : i32
      %swap3A_135 = arith.index_cast %swap3A_134 : i32 to index
      %swap3A_136 = arith.index_cast %mul3A_16 : i32 to index
      %swap3A_137 = tpu.vector_load %arg6[%swap3A_135, %swap3A_136] {strides = array<i32>} : memref<2x1024xf32, #tpu.memory_space<vmem>>, vector<1x16xf32>,
      %swap3A_138 = vector.shape_cast %swap3A_137 : vector<1x16xf32> to vector<16xf32>
      %swap3A_139 = vector.shape_cast %select_n3A_124 : vector<16xf32> to vector<1x16xf32>
      tpu.vector_store %arg6[%swap3A_135, %swap3A_136], %swap3A_139 {strides = array<i32>} : memref<2x1024xf32, #tpu.memory_space<vmem>>, vector<1x16xf32>,
      %swap3A_140 = arith.constant 0 : i32
      %swap3A_141 = arith.index_cast %swap3A_140 : i32 to index
      %swap3A_142 = arith.index_cast %mul3A_16 : i32 to index
      %swap3A_143 = tpu.vector_load %arg7[%swap3A_141, %swap3A_142] {strides = array<i32>} : memref<2x1024xi32, #tpu.memory_space<vmem>>, vector<1x16xi32>,
      %swap3A_144 = vector.shape_cast %swap3A_143 : vector<1x16xi32> to vector<16xi32>
      %swap3A_145 = vector.shape_cast %select_n3A_128 : vector<16xi32> to vector<1x16xi32>
      tpu.vector_store %arg7[%swap3A_141, %swap3A_142], %swap3A_145 {strides = array<i32>} : memref<2x1024xi32, #tpu.memory_space<vmem>>, vector<1x16xi32>,
      %swap3A_146 = arith.constant 1 : i32
      %swap3A_147 = arith.index_cast %swap3A_146 : i32 to index
      %swap3A_148 = arith.index_cast %mul3A_16 : i32 to index
      %swap3A_149 = tpu.vector_load %arg7[%swap3A_147, %swap3A_148] {strides = array<i32>} : memref<2x1024xi32, #tpu.memory_space<vmem>>, vector<1x16xi32>,
      %swap3A_150 = vector.shape_cast %swap3A_149 : vector<1x16xi32> to vector<16xi32>
      %swap3A_151 = vector.shape_cast %select_n3A_126 : vector<16xi32> to vector<1x16xi32>
      tpu.vector_store %arg7[%swap3A_147, %swap3A_148], %swap3A_151 {strides = array<i32>} : memref<2x1024xi32, #tpu.memory_space<vmem>>, vector<1x16xi32>,
      %scan3A_152 = arith.constant 0 : i32
      scf.yield %scan3A_152 : i32
    }
    %scan3A_8 = arith.constant 64 : i32
    %mul3A_9 = arith.constant 1024 : i32
    %mul3A_10 = arith.muli %add3A, %mul3A_9 : i32
    "tpu.region"() ({
      %run_scoped3A = tpu.sem_alloc : memref<!tpu.dma_semaphore, #tpu.memory_space<semaphore_mem>>
      %dma_start3A = arith.constant 0 : i32
      %dma_start3A_13 = tpu.memref_slice %arg3[%dma_start3A, %mul3A_10] : memref<2x32768xf32, #tpu.memory_space<hbm>> -> memref<2x1024xf32, #tpu.memory_space<hbm>>
      %dma_start3A_14 = arith.constant 0 : i32
      %dma_start3A_15 = tpu.memref_slice %arg3[%dma_start3A_14, %mul3A_10] : memref<2x32768xf32, #tpu.memory_space<hbm>> -> memref<2x1024xf32, #tpu.memory_space<hbm>>
      tpu.enqueue_dma source(%arg6 : memref<2x1024xf32, #tpu.memory_space<vmem>>) target(%dma_start3A_15 : memref<2x1024xf32, #tpu.memory_space<hbm>>) target_semaphore(%run_scoped3A : memref<!tpu.dma_semaphore, #tpu.memory_space<semaphore_mem>>)
      %dma_wait3A = arith.constant 0 : i32
      %dma_wait3A_16 = tpu.memref_slice %arg3[%dma_wait3A, %mul3A_10] : memref<2x32768xf32, #tpu.memory_space<hbm>> -> memref<2x1024xf32, #tpu.memory_space<hbm>>
      %dma_wait3A_17 = arith.constant 0 : i32
      %dma_wait3A_18 = tpu.memref_slice %arg3[%dma_wait3A_17, %mul3A_10] : memref<2x32768xf32, #tpu.memory_space<hbm>> -> memref<2x1024xf32, #tpu.memory_space<hbm>>
      tpu.wait_dma2 semaphore(%run_scoped3A : memref<!tpu.dma_semaphore, #tpu.memory_space<semaphore_mem>>) src(%arg6 : memref<2x1024xf32, #tpu.memory_space<vmem>>) dst(%dma_wait3A_18 : memref<2x1024xf32, #tpu.memory_space<hbm>>)
      tpu.yield
    }) : () -> ()
    %mul3A_11 = arith.constant 1024 : i32
    %mul3A_12 = arith.muli %add3A, %mul3A_11 : i32
    "tpu.region"() ({
      %run_scoped3A = tpu.sem_alloc : memref<!tpu.dma_semaphore, #tpu.memory_space<semaphore_mem>>
      %dma_start3A = arith.constant 0 : i32
      %dma_start3A_13 = tpu.memref_slice %arg4[%dma_start3A, %mul3A_12] : memref<2x32768xi32, #tpu.memory_space<hbm>> -> memref<2x1024xi32, #tpu.memory_space<hbm>>
      %dma_start3A_14 = arith.constant 0 : i32
      %dma_start3A_15 = tpu.memref_slice %arg4[%dma_start3A_14, %mul3A_12] : memref<2x32768xi32, #tpu.memory_space<hbm>> -> memref<2x1024xi32, #tpu.memory_space<hbm>>
      tpu.enqueue_dma source(%arg7 : memref<2x1024xi32, #tpu.memory_space<vmem>>) target(%dma_start3A_15 : memref<2x1024xi32, #tpu.memory_space<hbm>>) target_semaphore(%run_scoped3A : memref<!tpu.dma_semaphore, #tpu.memory_space<semaphore_mem>>)
      %dma_wait3A = arith.constant 0 : i32
      %dma_wait3A_16 = tpu.memref_slice %arg4[%dma_wait3A, %mul3A_12] : memref<2x32768xi32, #tpu.memory_space<hbm>> -> memref<2x1024xi32, #tpu.memory_space<hbm>>
      %dma_wait3A_17 = arith.constant 0 : i32
      %dma_wait3A_18 = tpu.memref_slice %arg4[%dma_wait3A_17, %mul3A_12] : memref<2x32768xi32, #tpu.memory_space<hbm>> -> memref<2x1024xi32, #tpu.memory_space<hbm>>
      tpu.wait_dma2 semaphore(%run_scoped3A : memref<!tpu.dma_semaphore, #tpu.memory_space<semaphore_mem>>) src(%arg7 : memref<2x1024xi32, #tpu.memory_space<vmem>>) dst(%dma_wait3A_18 : memref<2x1024xi32, #tpu.memory_space<hbm>>)
      tpu.yield
    }) : () -> ()
    return
  }
}

module attributes {stable_mosaic.version = 14 : i64} {
  func.func @_scores_kernel(%arg0: i32, %arg1: memref<2048x1024xf32, #tpu.memory_space<vmem>>, %arg2: memref<8x1024xf32, #tpu.memory_space<vmem>>, %arg3: memref<8x2048xf32, #tpu.memory_space<vmem>>) attributes {dimension_semantics = [#tpu.dimension_semantics<parallel>], iteration_bounds = array<i64: 16>, scalar_prefetch = 0 : i64, scratch_operands = 0 : i64, tpu.core_type = #tpu.core_type<tc>, window_params = [{transform_indices = @transform_0, window_bounds = array<i64: 2048, 1024>}, {pipeline_mode = #tpu.pipeline_mode<synchronous>, transform_indices = @transform_1, window_bounds = array<i64: 8, 1024>}, {transform_indices = @transform_2, window_bounds = array<i64: 8, 2048>}]} {
    %get3A = arith.constant 0 : index
    %get3A_0 = arith.constant 0 : index
    %get3A_1 = vector.load %arg1[%get3A, %get3A_0] : memref<2048x1024xf32, #tpu.memory_space<vmem>>, vector<2048x1024xf32>
    %get3A_2 = arith.constant 0 : index
    %get3A_3 = arith.constant 0 : index
    %get3A_4 = vector.load %arg2[%get3A_2, %get3A_3] : memref<8x1024xf32, #tpu.memory_space<vmem>>, vector<8x1024xf32>
    %dot_general3A = arith.constant dense<0.000000e+00> : vector<8x2048xf32>
    %dot_general3A_5 = tpu.matmul %get3A_4, %get3A_1, %dot_general3A {dimension_numbers = #tpu.dot_dimension_numbers<[1], [1], [0], [0], [0, 0, 1, 0], [], []>, transpose_lhs_hint = false} : vector<8x1024xf32>, vector<2048x1024xf32>, vector<8x2048xf32> -> vector<8x2048xf32>
    %logistic3A = arith.negf %dot_general3A_5 : vector<8x2048xf32>
    %logistic3A_6 = math.exp %logistic3A : vector<8x2048xf32>
    %logistic3A_7 = arith.constant 1.000000e+00 : f32
    %logistic3A_8 = vector.broadcast %logistic3A_7 : f32 to vector<8x2048xf32>
    %logistic3A_9 = arith.addf %logistic3A_8, %logistic3A_6 : vector<8x2048xf32>
    %logistic3A_10 = arith.divf %logistic3A_8, %logistic3A_9 : vector<8x2048xf32>
    %swap3A = arith.constant 0 : index
    %swap3A_11 = arith.constant 0 : index
    %swap3A_12 = vector.load %arg3[%swap3A, %swap3A_11] : memref<8x2048xf32, #tpu.memory_space<vmem>>, vector<8x2048xf32>
    tpu.vector_store %arg3[%swap3A, %swap3A_11], %logistic3A_10 {strides = array<i32>} : memref<8x2048xf32, #tpu.memory_space<vmem>>, vector<8x2048xf32>,
    return
  }
  func.func @transform_0(%arg0: i32) -> (i32, i32) {
    %c0_i32 = arith.constant 0 : i32
    %c0_i32_0 = arith.constant 0 : i32
    return %arg0, %c0_i32 : i32, i32
  }
  func.func @transform_1(%arg0: i32) -> (i32, i32) {
    %c0_i32 = arith.constant 0 : i32
    %c0_i32_0 = arith.constant 0 : i32
    %c0_i32_1 = arith.constant 0 : i32
    return %c0_i32, %c0_i32_0 : i32, i32
  }
  func.func @transform_2(%arg0: i32) -> (i32, i32) {
    %c0_i32 = arith.constant 0 : i32
    %c0_i32_0 = arith.constant 0 : i32
    return %c0_i32, %arg0 : i32, i32
  }
}

</mosaic_0001>

<sc_bundles>
// kernel: kernel.4.cloned.1.call-start
scs
__scs_entry_jumppad:
0x0: {  	(pc) =	sbr.rel $0x88, $3  }
0x1: {  	(tag) =	ssettag $0x0;
	lr =	simm.s32 $0x1  }
0x2: {  	[smem:$0x3F9F] =	sst lr;
	_ =	strace $0xD0000000  }
0x3: {  	_ = 	snop  }
0x4: {  	_ = 	snop  }
0x5: {  	_ = 	snop  }
0x6: {  	_ = 	snop  }
0x7: {  	_ = 	snop  }
__scs_overlays_trampoline_lowered:
0x8: {  	[smem:$0x3FAE] =	sst s0  }
0x9: {  	[smem:$0x3FAF] =	sst s1  }
0xa: {  	[smem:$0x3FB0] =	sst s2  }
0xb: {  	[smem:$0x3FB1] =	sst s3  }
0xc: {  	[smem:$0x3FB2] =	sst s4  }
0xd: {  	[smem:$0x3FB3] =	sst s5  }
0xe: {  	[smem:$0x3FB4] =	sst s6  }
0xf: {  	[smem:$0x3FB5] =	sst s7  }
0x10: {  	[smem:$0x3FB6] =	sst s8  }
0x11: {  	[smem:$0x3FB7] =	sst s9;
	s0 =	simm.s32 @!p0 $0x0  }
0x12: {  	s1 =	sld [smem:$0x3F9D];
	s0 =	simm.s32 @p0 $0x1  }
0x13: {  	[smem:$0x3FB8] =	sst s0;
	s0 =	simm.s32 @!p1 $0x0  }
0x14: {  	s2 =	sld [smem:$0x3F9C];
	s0 =	simm.s32 @p1 $0x1  }
0x15: {  	[smem:$0x3FB9] =	sst s0;
	s0 =	simm.s32 @!p2 $0x0  }
0x16: {  	s3 =	sld [smem:$0x3FDB];
	s0 =	simm.s32 @p2 $0x1  }
0x17: {  	s4 =	simm.s32 $0x1BF5;
	[smem:$0x3FBB] =	sst s0  }
0x18: {  	s0 =	sld [smem:$0x3F9E];
	_ =	swait.ge [sflag:s4], $0x0  }
0x19: {  	s7 =	sld [smem:$0x3F9F]  }
0x1a: {  	s8 =	sadd.s32 $0xFFFFE003, lr  }
0x1b: {  	s9 =	sadd.s32 $0xFFFFFEF7, lr;
	s5 =	simm.s32 $0xFFFFFFFF;
	p2 =	slt.u32 s8, $0xFFFFF086  }
0x1c: {  	p1 =	slt.u32 s9, $0xF7A;
	s5 =	simm.s32 @!p2 $0x0  }
0x1d: {  	s5 =	simm.s32 @p1 $0x1;
	p0 =	seq.s32 s7, s2  }
0x1e: {  	s7 =	smul.u32 @!p0 $0xF7A, s2;
	p2 =	seq.s32 @!p0 s5, $0x0  }
0x1f: {  	s9 =	smul.u32 $0xF7A, s1;
	s8 =	simm.s32 @!p0 $0x1BF5;
	p2 =	por !p2, p0  }
0x20: {  	[sflag:s8] =	ssyncset.s32 @!p0 $0xFFFFF086;
	s6 =	sadd.s32 @!p0 s3, s7;
	s7 =	simm.s32 @!p0 $0x108  }
0x21: {  	s3 =	sadd.s32 s3, s9;
	s6 =	sadd.s32 @!p0 $0x88, s6;
	s7 =	simm.s32 @p2 $0x1082  }
0x22: {  	[simem:s7], [sflag:s8] =	dma.local @!p0 [hbm:s6], $0xF7A  }
0x23: {  	s9 =	sor.u32 $0xD0000000, s2;
	s6 =	simm.s32 $0x108;
	_ =	swait.ge @!p0 [sflag:s8], $0x0  }
0x24: {  	s3 =	sadd.s32 $0x88, s3;
	s6 =	simm.s32 @!p1 $0x1082;
	[sflag:s4] =	ssyncset.s32 $0xFFFFF086  }
0x25: {  	[simem:s6], [sflag:s4] =	dma.local [hbm:s3], $0xF7A  }
0x26: {  	[smem:$0x3F9F] =	sst s1;
	(tag) =	ssettag s2;
	_ =	strace s9  }
0x27: {  	s1 =	sld [smem:$0x3FAF]  }
0x28: {  	s2 =	sld [smem:$0x3FB0]  }
0x29: {  	s4 =	sld [smem:$0x3FB2]  }
0x2a: {  	p0 =	seq.s32 s5, $0x0;
	s5 =	sld [smem:$0x3FB3]  }
0x2b: {  	s6 =	sld [smem:$0x3FB4]  }
0x2c: {  	s7 =	sld [smem:$0x3FB5]  }
0x2d: {  	s3 =	simm.s32 $0x108;
	s8 =	sld [smem:$0x3FB6]  }
0x2e: {  	s3 =	simm.s32 @!p0 $0x1082;
	s9 =	sld [smem:$0x3FB7]  }
0x2f: {  	lr =	sadd.s32 s0, s3;
	s0 =	sld [smem:$0x3FAE]  }
0x30: {  	s3 =	sld [smem:$0x3FB1]  }
0x31: {  	[smem:$0x3FBA] =	sst s10  }
0x32: {  	s10 =	sld [smem:$0x3FB8];
	_ =	sdelay $0x3  }
0x33: {  	p0 =	seq.s32 s10, $0x1;
	s10 =	sld [smem:$0x3FBA];
	_ =	sdelay $0x3  }
0x34: {  	[smem:$0x3FBA] =	sst s10  }
0x35: {  	s10 =	sld [smem:$0x3FB9];
	_ =	sdelay $0x3  }
0x36: {  	p1 =	seq.s32 s10, $0x1;
	s10 =	sld [smem:$0x3FBA];
	_ =	sdelay $0x3  }
0x37: {  	[smem:$0x3FBA] =	sst s10  }
0x38: {  	s10 =	sld [smem:$0x3FBB]  }
0x39: {  	_ = 	snop;
	(pc) =	sbr.ind lr, $3  }
0x3a: {  	_ = 	snop  }
0x3b: {  	_ = 	snop  }
0x3c: {  	p2 =	seq.s32 s10, $0x1;
	s10 =	sld [smem:$0x3FBA]  }
0x3d: {  	_ =	shalt  }
0x3e: {  	_ =	shalt  }
0x3f: {  	_ =	shalt  }
0x40: {  	_ =	shalt  }
0x41: {  	_ =	shalt  }
0x42: {  	_ =	shalt  }
0x43: {  	_ =	shalt  }
0x44: {  	_ =	shalt  }
0x45: {  	_ =	shalt  }
0x46: {  	_ =	shalt  }
0x47: {  	_ =	shalt  }
0x48: {  	_ =	shalt  }
0x49: {  	_ =	shalt  }
0x4a: {  	_ =	shalt  }
0x4b: {  	_ =	shalt  }
0x4c: {  	_ =	shalt  }
0x4d: {  	_ =	shalt  }
0x4e: {  	_ =	shalt  }
0x4f: {  	_ =	shalt  }
0x50: {  	_ =	shalt  }
0x51: {  	_ =	shalt  }
0x52: {  	_ =	shalt  }
0x53: {  	_ =	shalt  }
0x54: {  	_ =	shalt  }
0x55: {  	_ =	shalt  }
0x56: {  	_ =	shalt  }
0x57: {  	_ =	shalt  }
0x58: {  	_ =	shalt  }
0x59: {  	_ =	shalt  }
0x5a: {  	_ =	shalt  }
0x5b: {  	_ =	shalt  }
0x5c: {  	_ =	shalt  }
0x5d: {  	_ =	shalt  }
0x5e: {  	_ =	shalt  }
0x5f: {  	_ =	shalt  }
0x60: {  	_ =	shalt  }
0x61: {  	_ =	shalt  }
0x62: {  	_ =	shalt  }
0x63: {  	_ =	shalt  }
0x64: {  	_ =	shalt  }
0x65: {  	_ =	shalt  }
0x66: {  	_ =	shalt  }
0x67: {  	_ =	shalt  }
0x68: {  	_ =	shalt  }
0x69: {  	_ =	shalt  }
0x6a: {  	_ =	shalt  }
0x6b: {  	_ =	shalt  }
0x6c: {  	_ =	shalt  }
0x6d: {  	_ =	shalt  }
0x6e: {  	_ =	shalt  }
0x6f: {  	_ =	shalt  }
0x70: {  	_ =	shalt  }
0x71: {  	_ =	shalt  }
0x72: {  	_ =	shalt  }
0x73: {  	_ =	shalt  }
0x74: {  	_ =	shalt  }
0x75: {  	_ =	shalt  }
0x76: {  	_ =	shalt  }
0x77: {  	_ =	shalt  }
0x78: {  	_ =	shalt  }
0x79: {  	_ =	shalt  }
0x7a: {  	_ =	shalt  }
0x7b: {  	_ =	shalt  }
0x7c: {  	_ =	shalt  }
0x7d: {  	_ =	shalt  }
0x7e: {  	_ =	shalt  }
0x7f: {  	_ =	shalt  }
0x80: {  	_ =	shalt  }
0x81: {  	_ =	shalt  }
0x82: {  	_ =	shalt  }
0x83: {  	_ =	shalt  }
0x84: {  	_ =	shalt  }
0x85: {  	_ =	shalt  }
0x86: {  	_ =	shalt  }
0x87: {  	_ =	shalt  }
.Lfunc_end0:
.L_simem_size_0:
called_computation_lowered:
.L_overlay_start_0:
0x88: {  	s2 =	sld [smem:$0x3FD9]  }
0x89: {  	s3 =	sld [smem:$0x3FFE];
	_ =	sdelay $0x1  }
0x8a: {  	s1 =	srdreg.scid  }
0x8b: {  	s0 =	sand.u32 $0x1, s1  }
0x8c: {  	s14 =	sshll.u32 s0, $0xA;
	s2 =	sadd.s32 s3, s2  }
0x8d: {  	s2 =	sadd.s32 s2, s14  }
0x8e: {  	[smem:$0x3FC6] =	sst s2  }
0x8f: {  	_ = 	snop  }
0x90: {  	s2 =	sld [smem:$0x3FD0];
	_ =	sdelay $0x2  }
0x91: {  	s15 =	simm.s32 $0xA;
	s4 =	simm.s32 $0x10  }
0x92: {  	[smem:s4], [sflag:s15] =	dma.local [hbm:s2], $0x1  }
0x93: {  	_ =	swait.eq [sflag:s15], $0x1  }
0x94: {  	[sflag:s15] =	ssyncset.done $0x0  }
0x95: {  	s16 =	sld [smem:$0x10];
	[sflag:s15] =	ssyncadd.s32 $0xFFFFFFFF  }
0x96: {  	s17 =	sld [smem:$0x11];
	(tm) =	ssettm $0x1  }
0x97: {  	s18 =	sld [smem:$0x3FFB];
	_ =	sdelay $0x3  }
0x98: {  	_ =	strace s18  }
0x99: {  	s4 =	sld [smem:$0x3FFC];
	_ =	sdelay $0x3  }
0x9a: {  	_ =	strace s4  }
0x9b: {  	s4 =	sld [smem:$0x3FFD];
	_ =	sdelay $0x3  }
0x9c: {  	_ =	strace s4  }
0x9d: {  	_ =	strace $0x8FFFFFFF  }
0x9e: {  	s19 =	sld [smem:$0x3FDB];
	_ =	sdelay $0x1  }
0x9f: {  	s5 =	simm.s32 $_scs_section_size  }
0xa0: {  	s6 =	simm.s32 $_size__tile_overlayer_lowered;
	s7 =	simm.s32 $_tile_overlayer_lowered  }
0xa1: {  	s22 =	simm.s32 $0x1BFF;
	s21 =	sshll.u32 s7, $0x1;
	s4 =	sadd.s32 s5, s19  }
0xa2: {  	s8 =	simm.s32 $0x0;
	s20 =	sshll.u32 s6, $0x1;
	s6 =	sadd.s32 s21, s4  }
0xa3: {  	[timem:s8], [sflag:s22] =	dma.local [hbm:s6], s20  }
0xa4: {  	_ =	swait.ge [sflag:s22], s20  }
0xa5: {  	s5 =	ssub.s32 $0x0, s20;
	[sflag:s22] =	ssyncset.done $0x0  }
0xa6: {  	[sflag:s22] =	ssyncadd.s32 s5;
	_ =	sdelay $0x1  }
0xa7: {  	s23 =	simm.s32 $0x1B8B  }
0xa8: {  	_ =	swait.ge [sflag:s23], $0x1  }
0xa9: {  	[sflag:s23] =	ssyncset.done $0x0  }
0xaa: {  	s25 =	simm.s32 $0x1B8E;
	s24 =	sld [smem:$0x3FFE];
	[sflag:s23] =	ssyncadd.s32 $0xFFFFFFFF  }
0xab: {  	s26 =	simm.s32 $execute0_lowered;
	[smem:$0x3FD2] =	sst s25  }
0xac: {  	s6 =	sshll.u32 s26, $0x1;
	_ =	strace $0x80000046;
	[dreg:$0x1] =	wrdreg $0xFFFFFFFF  }
0xad: {  	s28 =	simm.s32 $_size_execute0_lowered;
	s4 =	sadd.s32 s4, s6;
	[dreg:$0x0] =	wrdreg $0x0  }
0xae: {  	s6 =	sshll.u32 s28, $0x1;
	[dreg:$0x2] =	wrdreg s4  }
0xaf: {  	[dreg:$0x3] =	wrdreg s6  }
0xb0: {  	[dreg:$0x4] =	wrdreg $0xC0  }
0xb1: {  	_ =	task [dreg:s8], $0x5FFFF  }
0xb2: {  	[dreg:$0x1] =	wrdreg $0xFFFFFFFF  }
0xb3: {  	[dreg:$0x0] =	wrdreg $0x60  }
0xb4: {  	[dreg:$0x2] =	wrdreg s24  }
0xb5: {  	[dreg:$0x3] =	wrdreg s16  }
0xb6: {  	[dreg:$0x4] =	wrdreg s17  }
0xb7: {  	[dreg:$0x5] =	wrdreg $0x9  }
0xb8: {  	_ =	task.clear_ibuf [dreg:s8], $0x6FFFF;
	_ =	strace $0x90000046  }
0xb9: {  	s29 =	simm.s32 $0x9;
	_ =	strace $0x80000048  }
0xba: {  	_ =	swait.ge [sflag:s29], $0x1  }
0xbb: {  	[sflag:s29] =	ssyncadd.s32 $0xFFFFFFFF  }
0xbc: {  	_ =	strace $0x90000048  }
0xbd: {  	_ =	sfence  }
0xbe: {  	s30 =	sld [smem:$0x0];
	_ =	sdelay $0x2  }
0xbf: {  	s31 =	sshll.u32 s1, $0xD;
	s1 =	sshrl.u32 s1, $0x2  }
0xc0: {  	s3 =	sand.u32 $0x4000, s31;
	s1 =	sadd.s32 s1, s30  }
0xc1: {  	s0 =	sor.u32 s3, s0;
	s1 =	sshll.u32 s1, $0x11  }
0xc2: {  	s0 =	sor.u32 s1, s0  }
0xc3: {  	s0 =	sadd.s32 $0x8F2B, s0  }
0xc4: {  	[sflag:s0] =	ssyncadd.remote.s32 $0x1  }
0xc5: {  	_ =	sfence.sel $0xFFFF  }
0xc6: {  	[dreg:$0x0] =	wrdreg $0xFFFFFFFF;
	(pc) =	sbr.abs _section_cstart, $3  }
0xc7: {  	[dreg:$0x1] =	wrdreg $0xFFFFFFFF  }
0xc8: {  	_ =	task.clear_ibuf [dreg:s8], $0x2FFFF;
	_ =	strace $0x9FFFFFFF  }
0xc9: {  	(tm) =	ssettm $0x7FFFFFFF  }
tec
execute0_lowered:
.L_overlay_start_1:
0x0: {  	(tag) =	ssettag $0x1  }
0x1: {  	s3 =	rddreg [dreg:$0x0]  }
0x2: {  	s4 =	rddreg [dreg:$0x1]  }
0x3: {  	s5 =	rddreg [dreg:$0x2]  }
0x4: {  	s0 =	rddreg [dreg:$0x3];
	s6 =	srdreg.scid  }
0x5: {  	s2 =	simm.s32 $0x0;
	s1 =	stileid.u32;
	s9 =	simm.s32 $0x2800  }
0x6: {  	s10 =	simm.s32 $0x0;
	s6 =	sand.u32 $0x1, s6;
	[smem:$0x7FF] =	sst s2  }
0x7: {  	s7 =	sshll.u32 s1, $0xB;
	s8 =	sshll.u32 s6, $0xA;
	s6 =	ssub.s32 $0x2, s6  }
0x8: {  	_ =	strace $0x80000047;
	s7 =	sor.u32 s8, s7;
	s31 =	sshrl.u32 s6, $0x1  }
0x9: {  	s8 =	simm.s32 $0x2000;
	s3 =	sadd.s32 s7, s3;
	s7 =	sshrl.u32 s7, $0x2  }
0xa: {  	s6 =	ssub.s32 s6, s31;
	s3 =	sadd.s32 $0xC00, s3;
	s4 =	sadd.s32 s4, s7  }
0xb: {  	v0 =	vimm.s32 $0x0;
	s5 =	sadd.s32 s5, s7;
	s6 =	smax.u32 s6, $0x1;
	s7 =	simm.s32 $0x1  }
.LBB2_1:
0xc: {  	[tilespmem:s2], [sflag:$0x1] =	stream.linear.gather [hbm4b:s3+s2], $0x2000, $0x38;
	[tilespmem:$0x3000] =	vst v63  }
0xd: {  	s11 =	simm.s32 $0x0;
	_ =	swait.ge [sflag:s7], $0x2000  }
0xe: {  	s13 =	sand.u32 $0x70, s2;
	s11 =	sand.u32 $0x3FFFFC00, s11;
	[sflag:s7] =	ssyncset.done $0x0  }
0xf: {  	s15 =	sor.u32 s13, s11;
	[sflag:s7] =	ssyncadd.s32 $0xFFFFE000  }
0x10: {  	v2 =	vld [tilespmem:s15+$0x80]  }
0x11: {  	v3 =	vld [tilespmem:s15+$0x0]  }
0x12: {  	s17 =	simm.s32 $0x2  }
0x13: {  	s12 =	simm.s32 $0x0;
	s14 =	simm.s32 $0x0;
	s11 =	simm.s32 $0x1;
	v1 =	vld [tilespmem:s15+$0x100]  }
.LBB2_2:
0x14: {  	s19 =	sshll.u32 s11, $0x7  }
0x15: {  	s12 =	sadd.s32 $0x10, s12;
	s18 =	smov.u32 s17;
	s16 =	sadd.s32 $0x1, s17  }
0x16: {  	p0 =	sne.s32 s17, $0x3F;
	vm1 =	vgt.f32 v2, $-1.000000000e+00;
	s17 =	sand.u32 $0x70, s12;
	s19 =	sand.u32 $0x3FFFFC00, s19;
	vm0 =	vgt.f32 v2, v3;
	v4 =	vld [tilespmem:s15+$0x180]  }
0x17: {  	v5 =	vnsel vm1, $0xBF800000, v2;
	s19 =	sor.u32 s17, s19;
	vm2 =	vmneg vm0;
	v6 =	vsel vm0, $0x1, v0  }
0x18: {  	v5 =	vsel vm2, v5, v3;
	vm0 =	vmand vm2, vm1;
	v2 =	vsel vm2, v3, v2;
	v3 =	vld [tilespmem:s15+$0x200]  }
0x19: {  	v7 =	vsel vm0, $0x1, v0;
	vm0 =	vgt.f32 v1, v2;
	vm1 =	vgt.f32 v1, v5  }
0x1a: {  	v5 =	vsel vm1, v1, v5;
	v7 =	vsel vm1, $0x2, v7;
	v1 =	vsel vm0, v1, v2;
	v8 =	vld [tilespmem:s15+$0x280]  }
0x1b: {  	v2 =	vsel vm0, v2, v5;
	v5 =	vsel vm0, $0x2, v6;
	vm1 =	vgt.f32 v4, v1  }
0x1c: {  	v6 =	vsel vm0, v6, v7;
	vm0 =	vgt.f32 v4, v2;
	v7 =	vsel vm1, v4, v1;
	v9 =	vld [tilespmem:s15+$0x300]  }
0x1d: {  	v2 =	vsel vm0, v4, v2;
	v4 =	vsel vm0, $0x3, v6;
	vm0 =	vgt.f32 v3, v7  }
0x1e: {  	v1 =	vsel vm1, v1, v2;
	v2 =	vsel vm1, v5, v4;
	v4 =	vsel vm0, v3, v7;
	v6 =	vld [tilespmem:s15+$0x380];
	s15 =	smov.u32 s19  }
0x1f: {  	v5 =	vsel vm1, $0x3, v5;
	vm1 =	vgt.f32 v3, v1;
	vm2 =	vgt.f32 v8, v4  }
0x20: {  	v1 =	vsel vm1, v3, v1;
	v2 =	vsel vm1, $0x4, v2;
	v3 =	vsel vm2, v8, v4  }
0x21: {  	v1 =	vsel vm0, v7, v1;
	v2 =	vsel vm0, v5, v2;
	vm1 =	vgt.f32 v9, v3  }
0x22: {  	s19 =	sshll.u32 s14, $0x5;
	s14 =	smov.u32 s11;
	s11 =	smov.u32 s18;
	v5 =	vsel vm0, $0x4, v5;
	vm0 =	vgt.f32 v8, v1;
	v7 =	vsel vm1, v9, v3  }
0x23: {  	s18 =	sand.u32 $0xFFFFFF00, s19;
	v1 =	vsel vm0, v8, v1;
	v2 =	vsel vm0, $0x5, v2;
	vm0 =	vgt.f32 v6, v7  }
0x24: {  	s18 =	sor.u32 s13, s18;
	s13 =	smov.u32 s17;
	v1 =	vsel vm2, v4, v1;
	v2 =	vsel vm2, v5, v2;
	v4 =	vsel vm0, v6, v7  }
0x25: {  	v5 =	vsel vm2, $0x5, v5;
	vm2 =	vgt.f32 v9, v1;
	[tilespmem:s18+$0x2000] =	vst v4  }
0x26: {  	v4 =	vsel vm1, $0x6, v5;
	v1 =	vsel vm2, v9, v1  }
0x27: {  	v2 =	vsel vm2, $0x6, v2;
	v1 =	vsel vm1, v3, v1;
	v3 =	vsel vm0, $0x7, v4  }
0x28: {  	v2 =	vsel vm1, v5, v2;
	vm1 =	vgt.f32 v6, v1;
	[tilespmem:s18+$0x2800] =	vst v3  }
0x29: {  	v1 =	vsel vm1, v6, v1;
	v2 =	vsel vm1, $0x7, v2  }
0x2a: {  	v1 =	vsel vm0, v7, v1;
	v2 =	vsel vm0, v4, v2  }
0x2b: {  	[tilespmem:s18+$0x2080] =	vst v1  }
0x2c: {  	[tilespmem:s18+$0x2880] =	vst v2  }
.Ltmp0:
0x2d: {  	v2 =	vld [tilespmem:s15+$0x80];
	(pc) =	sbr.rel @p0 .LBB2_2-.Ltmp0, $2  }
0x2e: {  	v3 =	vld [tilespmem:s15+$0x0];
	_ =	sdelay $0x2  }
0x2f: {  	s17 =	smov.u32 s16;
	v1 =	vld [tilespmem:s15+$0x100]  }
0x30: {  	_ = 	snop  }
0x31: {  	vm1 =	vgt.f32 v2, $-1.000000000e+00;
	vm0 =	vgt.f32 v2, v3  }
0x32: {  	v4 =	vld [tilespmem:s15+$0x180];
	v5 =	vnsel vm1, $0xBF800000, v2;
	vm2 =	vmneg vm0  }
0x33: {  	v5 =	vsel vm2, v5, v3  }
0x34: {  	v2 =	vsel vm2, v3, v2;
	vm3 =	vgt.f32 v1, v5  }
0x35: {  	v3 =	vld [tilespmem:s15+$0x200];
	vm4 =	vgt.f32 v1, v2;
	v5 =	vsel vm3, v1, v5  }
0x36: {  	v6 =	vsel vm0, $0x1, v0;
	vm10 =	vmand vm2, vm1;
	v5 =	vsel vm4, v2, v5  }
0x37: {  	v7 =	vsel vm10, $0x1, v0;
	v1 =	vsel vm4, v1, v2;
	vm11 =	vgt.f32 v4, v5  }
0x38: {  	v43 =	vld [tilespmem:s15+$0x280];
	v2 =	vsel vm3, $0x2, v7;
	vm12 =	vgt.f32 v4, v1;
	v5 =	vsel vm11, v4, v5  }
0x39: {  	v8 =	vsel vm4, $0x2, v6;
	v2 =	vsel vm4, v6, v2;
	v5 =	vsel vm12, v1, v5  }
0x3a: {  	v2 =	vsel vm11, $0x3, v2;
	v1 =	vsel vm12, v4, v1;
	vm13 =	vgt.f32 v3, v5  }
0x3b: {  	v44 =	vld [tilespmem:s15+$0x300];
	v2 =	vsel vm12, v8, v2;
	vm14 =	vgt.f32 v3, v1;
	v5 =	vsel vm13, v3, v5  }
0x3c: {  	v8 =	vsel vm12, $0x3, v8;
	v3 =	vsel vm14, v3, v1;
	v1 =	vsel vm14, v1, v5  }
0x3d: {  	v45 =	vld [tilespmem:s15+$0x380];
	v2 =	vsel vm13, $0x4, v2;
	v47 =	vsel vm14, $0x4, v8;
	vm6 =	vgt.f32 v43, v1  }
0x3e: {  	vm15 =	vgt.f32 v43, v3;
	v2 =	vsel vm14, v8, v2;
	v1 =	vsel vm6, v43, v1  }
0x3f: {  	v46 =	vsel vm15, v43, v3;
	v7 =	vsel vm15, $0x5, v47;
	v1 =	vsel vm15, v3, v1  }
0x40: {  	vm7 =	vgt.f32 v44, v46;
	v2 =	vsel vm6, $0x5, v2;
	vm8 =	vgt.f32 v44, v1  }
0x41: {  	s14 =	sshll.u32 s14, $0x5;
	v3 =	vsel vm7, v44, v46;
	v2 =	vsel vm15, v47, v2;
	v1 =	vsel vm8, v44, v1  }
0x42: {  	s14 =	sand.u32 $0xFFFFFF00, s14;
	v49 =	vsel vm7, $0x6, v7;
	vm9 =	vgt.f32 v45, v3;
	v1 =	vsel vm7, v46, v1  }
0x43: {  	s13 =	sor.u32 s13, s14;
	v48 =	vsel vm9, v45, v3;
	v2 =	vsel vm8, $0x6, v2;
	vm10 =	vgt.f32 v45, v1  }
0x44: {  	v50 =	vsel vm9, $0x7, v49;
	[tilespmem:s13+$0x2000] =	vst v48;
	v2 =	vsel vm7, v7, v2;
	v1 =	vsel vm10, v45, v1  }
0x45: {  	s30 =	sshll.u32 s11, $0x7;
	s12 =	sadd.s32 $0x10, s12;
	[tilespmem:s13+$0x2800] =	vst v50;
	v2 =	vsel vm10, $0x7, v2;
	v1 =	vsel vm9, v3, v1  }
0x46: {  	s12 =	sand.u32 $0x70, s12;
	s14 =	sand.u32 $0x3FFFFC00, s30;
	v2 =	vsel vm9, v49, v2;
	[tilespmem:s13+$0x2080] =	vst v1  }
0x47: {  	s14 =	sor.u32 s12, s14;
	[tilespmem:s13+$0x2880] =	vst v2  }
0x48: {  	v1 =	vld [tilespmem:s14+$0x80]  }
0x49: {  	v2 =	vld [tilespmem:s14+$0x0];
	_ =	sdelay $0x2  }
0x4a: {  	v3 =	vld [tilespmem:s14+$0x100];
	_ =	sdelay $0x1  }
0x4b: {  	vm11 =	vgt.f32 v1, v2;
	vm12 =	vgt.f32 v1, $-1.000000000e+00  }
0x4c: {  	v4 =	vld [tilespmem:s14+$0x180];
	vm13 =	vmneg vm11;
	v51 =	vnsel vm12, $0xBF800000, v1  }
0x4d: {  	v5 =	vsel vm13, v51, v2  }
0x4e: {  	v1 =	vsel vm13, v2, v1;
	vm14 =	vgt.f32 v3, v5  }
0x4f: {  	v2 =	vld [tilespmem:s14+$0x200];
	vm15 =	vgt.f32 v3, v1;
	v5 =	vsel vm14, v3, v5  }
0x50: {  	v52 =	vsel vm11, $0x1, v0;
	vm5 =	vmand vm13, vm12;
	v5 =	vsel vm15, v1, v5  }
0x51: {  	v53 =	vsel vm5, $0x1, v0;
	v1 =	vsel vm15, v3, v1;
	vm6 =	vgt.f32 v4, v5  }
0x52: {  	v54 =	vld [tilespmem:s14+$0x280];
	v3 =	vsel vm14, $0x2, v53;
	vm7 =	vgt.f32 v4, v1;
	v5 =	vsel vm6, v4, v5  }
0x53: {  	v55 =	vsel vm15, $0x2, v52;
	v3 =	vsel vm15, v52, v3;
	v5 =	vsel vm7, v1, v5  }
0x54: {  	v3 =	vsel vm6, $0x3, v3;
	v1 =	vsel vm7, v4, v1;
	vm8 =	vgt.f32 v2, v5  }
0x55: {  	v56 =	vld [tilespmem:s14+$0x300];
	v8 =	vsel vm7, $0x3, v55;
	vm9 =	vgt.f32 v2, v1;
	v5 =	vsel vm8, v2, v5  }
0x56: {  	v3 =	vsel vm7, v55, v3;
	v2 =	vsel vm9, v2, v1;
	v1 =	vsel vm9, v1, v5  }
0x57: {  	v57 =	vld [tilespmem:s14+$0x380];
	v3 =	vsel vm8, $0x4, v3;
	v59 =	vsel vm9, $0x4, v8;
	vm11 =	vgt.f32 v54, v1  }
0x58: {  	vm10 =	vgt.f32 v54, v2;
	v3 =	vsel vm9, v8, v3;
	v1 =	vsel vm11, v54, v1  }
0x59: {  	v58 =	vsel vm10, v54, v2;
	v60 =	vsel vm10, $0x5, v59;
	v1 =	vsel vm10, v2, v1  }
0x5a: {  	vm12 =	vgt.f32 v56, v58;
	v3 =	vsel vm11, $0x5, v3;
	vm13 =	vgt.f32 v56, v1  }
0x5b: {  	s31 =	sshll.u32 s11, $0x5;
	v2 =	vsel vm12, v56, v58;
	v3 =	vsel vm10, v59, v3;
	v1 =	vsel vm13, v56, v1  }
0x5c: {  	s11 =	sand.u32 $0xFFFFFF00, s31;
	v62 =	vsel vm12, $0x6, v60;
	vm14 =	vgt.f32 v57, v2;
	v1 =	vsel vm12, v58, v1  }
0x5d: {  	s11 =	sor.u32 s12, s11;
	v61 =	vsel vm14, v57, v2;
	v3 =	vsel vm13, $0x6, v3;
	vm15 =	vgt.f32 v57, v1  }
0x5e: {  	v63 =	vsel vm14, $0x7, v62;
	[tilespmem:s11+$0x2000] =	vst v61;
	v3 =	vsel vm12, v60, v3;
	v1 =	vsel vm15, v57, v1  }
0x5f: {  	[tilespmem:s11+$0x2800] =	vst v63;
	v3 =	vsel vm15, $0x7, v3;
	v1 =	vsel vm14, v2, v1  }
0x60: {  	v2 =	vsel vm14, v62, v3;
	[tilespmem:s11+$0x2080] =	vst v1  }
0x61: {  	[tilespmem:s11+$0x2880] =	vst v2  }
0x62: {  	[hbm4b:s4+s2] =	stream.linear.scatter [tilespmem:s8], [sflag:$0x1], $0x800, $0x38;
	[tilespmem:$0x3000] =	vst v63  }
0x63: {  	s10 =	sadd.s32 $0x1, s10;
	_ =	swait.ge [sflag:s7], $0x800  }
0x64: {  	p0 =	sne.s32 s10, s6;
	[sflag:s7] =	ssyncset.done $0x0  }
.Ltmp1:
0x65: {  	[sflag:s7] =	ssyncadd.s32 $0xFFFFF800;
	(pc) =	sbr.rel @p0 .LBB2_1-.Ltmp1, $4  }
0x66: {  	[hbm4b:s5+s2] =	stream.linear.scatter [tilespmem:s9], [sflag:$0x1], $0x800, $0x38;
	[tilespmem:$0x3000] =	vst v63  }
0x67: {  	_ =	swait.ge [sflag:s7], $0x800  }
0x68: {  	[sflag:s7] =	ssyncset.done $0x0  }
0x69: {  	[sflag:s7] =	ssyncadd.s32 $0xFFFFF800  }
0x6a: {  	_ =	sfence.sel $0x180000  }
0x6b: {  	[bflag:$0x0] =	sbarrier.arrive $0xFFFF  }
0x6c: {  	p0 =	sne.s32 s1, $0x0;
	_ =	strace $0x90000047  }
0x6d: {  	s0 =	sadd.s32 @!p0 $0x100000, s0;
	[bflag:$0x2] =	sbarrier.arrive $0xFFFF  }
0x6e: {  	[sflag:s0] =	ssyncadd.tile.s32 @!p0 $0x1;
	_ =	shalt  }
.Lfunc_end2:
_tile_overlayer_lowered:
.L_overlay_start_2:
0x6f: {  	(tag) =	ssettag $0x2  }
0x70: {  	s0 =	rddreg [dreg:$0x0];
	s2 =	stileid.u32  }
0x71: {  	s1 =	rddreg [dreg:$0x1];
	p0 =	sne.s32 s2, $0x0  }
0x72: {  	s3 =	rddreg [dreg:$0x2];
	[bflag:$0x3] =	sbarrier.arrive $0xFFFF;
	s2 =	simm.s32 @!p0 $0x1C01  }
0x73: {  	[timem:s3], [sflag:s2] =	dma.local @!p0 [hbm:s0], s1  }
0x74: {  	s0 =	simm.s32 @!p0 $0x1  }
0x75: {  	_ =	swait.ge @!p0 [sflag:s0], s1  }
0x76: {  	s1 =	ssub.s32 @!p0 $0x0, s1;
	[sflag:s0] =	ssyncset.done @!p0 $0x0  }
0x77: {  	[sflag:s0] =	ssyncadd.s32 @!p0 s1  }
0x78: {  	[bflag:$0x3] =	sbarrier.arrive $0xFFFF  }
0x79: {  	_ =	shalt  }

</sc_bundles>
